<compile_context>
chip_gen: v7x
topology: tpu7x:2x2x1
jax: 0.10.2.dev20260603
libtpu: 0.0.44.dev20260713+nightly
codegen_flags: <defaults>
</compile_context>

<pallas_src>
import functools

import jax
import jax.numpy as jnp
from jax import lax
from jax.experimental import pallas as pl
from jax.experimental.pallas import tpu as pltpu
from jax.experimental.pallas import tpu_sc as plsc

N_NODES = 100000
NPAD = 100352
ROWS, COLS = 784, 128
N_EDGES = 6400000

NC, NS = 2, 16
NW = NC * NS
E_PER_W = N_EDGES // NW
CHUNK = 8000
NCHUNK = E_PER_W // CHUNK
SLICE = NPAD // NS


def _uv_body(w1_ref, x0_ref, x1_ref, u_ref, v_ref):
    x0 = x0_ref[...]
    x1 = x1_ref[...]
    u_ref[...] = w1_ref[0, 0] * x0 + w1_ref[1, 0] * x1
    v_ref[...] = w1_ref[2, 0] * x0 + w1_ref[3, 0] * x1


def _compute_uv(W1, x0, x1):
    return pl.pallas_call(
        _uv_body,
        out_shape=(
            jax.ShapeDtypeStruct((ROWS, COLS), jnp.float32),
            jax.ShapeDtypeStruct((ROWS, COLS), jnp.float32),
        ),
        in_specs=[
            pl.BlockSpec(memory_space=pltpu.SMEM),
            pl.BlockSpec(memory_space=pltpu.VMEM),
            pl.BlockSpec(memory_space=pltpu.VMEM),
        ],
        out_specs=(
            pl.BlockSpec(memory_space=pltpu.VMEM),
            pl.BlockSpec(memory_space=pltpu.VMEM),
        ),
    )(W1, x0, x1)


def _edge_body(u_hbm, v_hbm, src_hbm, dst_hbm, prm_hbm, out_hbm,
               sidx, didx, ug, vg, prm, a_sh, u_sh, v_sh, zbuf, sem):
    cid = lax.axis_index("c")
    sid = lax.axis_index("s")
    wid = sid * NC + cid

    def _zero(i, _):
        zbuf[pl.ds(i * 16, 16)] = jnp.zeros((16,), jnp.float32)
        return 0
    lax.fori_loop(0, SLICE // 16, _zero, 0)
    msl = pl.ds(sid * SLICE, SLICE)
    pltpu.sync_copy(zbuf, a_sh.at[msl])
    pltpu.sync_copy(u_hbm.at[msl], u_sh.at[msl])
    pltpu.sync_copy(v_hbm.at[msl], v_sh.at[msl])
    pltpu.sync_copy(prm_hbm, prm)
    plsc.subcore_barrier()

    pv = prm[...]
    w2p0 = jnp.maximum(pv[0], 0.0)
    w2p1 = jnp.maximum(pv[1], 0.0)
    cc = w2p0 * pv[2] + w2p1 * pv[3]
    b1v = pv[4]
    bgv = pv[5]

    base = wid * E_PER_W

    def _chunk(j, _):
        off = base + j * CHUNK
        pltpu.sync_copy(src_hbm.at[pl.ds(off, CHUNK)], sidx)
        pltpu.sync_copy(dst_hbm.at[pl.ds(off, CHUNK)], didx)
        pltpu.async_copy(u_sh.at[didx], ug, sem).wait()
        pltpu.async_copy(v_sh.at[sidx], vg, sem).wait()

        def _vec(i, _):
            sl = pl.ds(i * 16, 16)
            s = jnp.maximum(ug[sl] + vg[sl] + b1v, 0.0)
            z = cc * s + bgv
            ug[sl] = s / (1.0 + jnp.exp(-z))
            return 0
        lax.fori_loop(0, CHUNK // 16, _vec, 0)

        pltpu.sync_copy(ug, a_sh.at[didx], add=True)
        return 0
    lax.fori_loop(0, NCHUNK, _chunk, 0)

    plsc.subcore_barrier()
    sl = pl.ds(sid * SLICE, SLICE)
    pltpu.sync_copy(a_sh.at[sl], out_hbm.at[cid, sl])


def _edge_phase(u, v, src, dst, prm):
    mesh = plsc.VectorSubcoreMesh(core_axis_name="c", subcore_axis_name="s")
    k = functools.partial(
        pl.kernel,
        out_type=jax.ShapeDtypeStruct((NC, NPAD), jnp.float32),
        mesh=mesh,
        scratch_types=[
            pltpu.VMEM((CHUNK,), jnp.int32),
            pltpu.VMEM((CHUNK,), jnp.int32),
            pltpu.VMEM((CHUNK,), jnp.float32),
            pltpu.VMEM((CHUNK,), jnp.float32),
            pltpu.VMEM((16,), jnp.float32),
            pltpu.VMEM_SHARED((NPAD,), jnp.float32),
            pltpu.VMEM_SHARED((NPAD,), jnp.float32),
            pltpu.VMEM_SHARED((NPAD,), jnp.float32),
            pltpu.VMEM((SLICE,), jnp.float32),
            pltpu.SemaphoreType.DMA,
        ],
    )(_edge_body)
    return k(u, v, src, dst, prm)


def _head_body(w2_ref, wu1_ref, bu1_ref, wu2_ref, bu2_ref,
               wf1_ref, bf1_ref, wf2_ref, bf2_ref,
               a_ref, x0_ref, x1_ref, o_ref):
    a = a_ref[0] + a_ref[1]
    w2p0 = jnp.maximum(w2_ref[0, 0], 0.0)
    w2p1 = jnp.maximum(w2_ref[0, 1], 0.0)
    agg0 = a * w2p0
    agg1 = a * w2p1
    x0 = x0_ref[...]
    x1 = x1_ref[...]
    h10 = jnp.maximum(agg0 * wu1_ref[0, 0] + agg1 * wu1_ref[1, 0]
                      + x0 * wu1_ref[2, 0] + x1 * wu1_ref[3, 0]
                      + bu1_ref[0], 0.0)
    h11 = jnp.maximum(agg0 * wu1_ref[0, 1] + agg1 * wu1_ref[1, 1]
                      + x0 * wu1_ref[2, 1] + x1 * wu1_ref[3, 1]
                      + bu1_ref[1], 0.0)
    h20 = h10 * wu2_ref[0, 0] + h11 * wu2_ref[1, 0] + bu2_ref[0] + x0
    h21 = h10 * wu2_ref[0, 1] + h11 * wu2_ref[1, 1] + bu2_ref[1] + x1
    f10 = jnp.maximum(h20 * wf1_ref[0, 0] + h21 * wf1_ref[1, 0]
                      + bf1_ref[0], 0.0)
    f11 = jnp.maximum(h20 * wf1_ref[0, 1] + h21 * wf1_ref[1, 1]
                      + bf1_ref[1], 0.0)
    o_ref[...] = jax.nn.sigmoid(f10 * wf2_ref[0, 0] + f11 * wf2_ref[1, 0]
                                + bf2_ref[0])


def _head(W2, Wu1, bu1, Wu2, bu2, Wf1, bf1, Wf2, bf2, a2, x0, x1):
    smem = pl.BlockSpec(memory_space=pltpu.SMEM)
    anyspec = pl.BlockSpec(memory_space=pltpu.VMEM)
    return pl.pallas_call(
        _head_body,
        out_shape=jax.ShapeDtypeStruct((ROWS, COLS), jnp.float32),
        in_specs=[smem] * 9 + [anyspec] * 3,
        out_specs=anyspec,
    )(W2, Wu1, bu1, Wu2, bu2, Wf1, bf1, Wf2, bf2, a2, x0, x1)


def kernel(x, edge_index, W1, b1, W2, b2, Wg, bg,
           Wu1, bu1, Wu2, bu2, Wf1, bf1, Wf2, bf2):
    x_pad = jnp.pad(x, ((0, NPAD - N_NODES), (0, 0)))
    x0 = x_pad[:, 0].reshape(ROWS, COLS)
    x1 = x_pad[:, 1].reshape(ROWS, COLS)

    u2d, v2d = _compute_uv(W1, x0, x1)
    u = u2d.reshape(NPAD)
    v = v2d.reshape(NPAD)

    src = edge_index[0]
    dst = edge_index[1]
    prm = jnp.concatenate([W2.reshape(2), Wg.reshape(2), b1, bg,
                           jnp.zeros((10,), jnp.float32)])

    a2 = _edge_phase(u, v, src, dst, prm)
    a2 = a2.reshape(NC, ROWS, COLS)

    o2d = _head(W2, Wu1, bu1, Wu2, bu2, Wf1, bf1, Wf2, bf2, a2, x0, x1)
    return o2d.reshape(NPAD)[:N_NODES].reshape(N_NODES, 1)

# --- scband reference (transcript-rebuilt; emitter-appended) ---
"""Pipeline reference for scband-gnn-30296699306730 (READ-ONLY COPY).

The authoritative reference and input builder live on the scoring server;
editing this copy changes nothing except your own understanding.
"""

import jax, jax.numpy as jnp
import numpy as np

N_NODES = 100000
AVG_DEGREE = 64
N_EDGES = N_NODES * AVG_DEGREE


def _glorot(key, shape):
    fan_in, fan_out = shape[0], shape[1]
    lim = float(np.sqrt(6.0 / (fan_in + fan_out)))
    return jax.random.uniform(key, shape, jnp.float32, -lim, lim)


def setup_inputs(seed: int = 0) -> dict:
    key = jax.random.key(seed)
    ks = jax.random.split(key, 16)
    x = jax.random.normal(ks[0], (N_NODES, 2), dtype=jnp.float32)
    edge_index = jax.random.randint(ks[1], (2, N_EDGES), 0, N_NODES, dtype=jnp.int32)
    return {
        "x": x,
        "edge_index": edge_index,
        # GatedGraphNetwork msg_mlp: Linear(2*2, 2//2) -> relu -> Linear(1, 2) -> relu
        "W1": _glorot(ks[2], (4, 1)), "b1": jnp.zeros((1,), jnp.float32),
        "W2": _glorot(ks[3], (1, 2)), "b2": jnp.zeros((2,), jnp.float32),
        # gate_mlp: Dense(2, 1, activation='sigmoid')
        "Wg": _glorot(ks[4], (2, 1)), "bg": jnp.zeros((1,), jnp.float32),
        # update_mlp: Linear(2+2, 2) -> relu -> Linear(2, 2)
        "Wu1": _glorot(ks[5], (4, 2)), "bu1": jnp.zeros((2,), jnp.float32),
        "Wu2": _glorot(ks[6], (2, 2)), "bu2": jnp.zeros((2,), jnp.float32),
        # fc_block: Linear(2, 2) -> ReLU -> Linear(2, 1) -> Sigmoid
        "Wf1": _glorot(ks[7], (2, 2)), "bf1": jnp.zeros((2,), jnp.float32),
        "Wf2": _glorot(ks[8], (2, 1)), "bf2": jnp.zeros((1,), jnp.float32),
    }


def reference(x, edge_index, W1, b1, W2, b2, Wg, bg, Wu1, bu1, Wu2, bu2, Wf1, bf1, Wf2, bf2):
    # GatedGraphNetwork (tsl), aggr='add', node_dim=-2, input_size==output_size -> identity skip
    src = edge_index[0]
    dst = edge_index[1]
    x_j = jnp.take(x, src, axis=0)  # source/neighbor features, gather
    x_i = jnp.take(x, dst, axis=0)  # target features, gather
    m = jnp.concatenate([x_i, x_j], axis=-1)
    m = jax.nn.relu(m @ W1 + b1)
    m = jax.nn.relu(m @ W2 + b2)
    gate = jax.nn.sigmoid(m @ Wg + bg)
    msg = gate * m
    # scatter-add aggregation at target nodes
    agg = jnp.zeros((x.shape[0], msg.shape[-1]), msg.dtype).at[dst].add(msg)
    h = jnp.concatenate([agg, x], axis=-1)
    h = jax.nn.relu(h @ Wu1 + bu1)
    h = h @ Wu2 + bu2
    h = h + x  # identity skip connection
    # fc_block
    o = jax.nn.relu(h @ Wf1 + bf1)
    o = jax.nn.sigmoid(o @ Wf2 + bf2)
    return o

if __name__ == "__main__":
    import jax
    _d = setup_inputs()
    print(jax.jit(kernel)(*tuple(_d.values())))

</pallas_src>

<mosaic_0001>
#map = affine_map<(d0, d1) -> (0)>
#map1 = affine_map<(d0, d1) -> (0, 0)>
module attributes {stable_mosaic.version = 14 : i64} {
  func.func @_edge_body(%arg0: i32, %arg1: i32, %arg2: memref<100352xf32, #tpu.memory_space<hbm>>, %arg3: memref<100352xf32, #tpu.memory_space<hbm>>, %arg4: memref<6400000xi32, #tpu.memory_space<hbm>>, %arg5: memref<6400000xi32, #tpu.memory_space<hbm>>, %arg6: memref<16xf32, #tpu.memory_space<hbm>>, %arg7: memref<2x100352xf32, #tpu.memory_space<hbm>>, %arg8: memref<8000xi32, #tpu.memory_space<vmem>>, %arg9: memref<8000xi32, #tpu.memory_space<vmem>>, %arg10: memref<8000xf32, #tpu.memory_space<vmem>>, %arg11: memref<8000xf32, #tpu.memory_space<vmem>>, %arg12: memref<16xf32, #tpu.memory_space<vmem>>, %arg13: memref<100352xf32, #tpu.memory_space<vmem_shared>>, %arg14: memref<100352xf32, #tpu.memory_space<vmem_shared>>, %arg15: memref<100352xf32, #tpu.memory_space<vmem_shared>>, %arg16: memref<6272xf32, #tpu.memory_space<vmem>>, %arg17: memref<!tpu.dma_semaphore, #tpu.memory_space<semaphore_mem>>) attributes {dimension_semantics = [#tpu.dimension_semantics<core_parallel>, #tpu.dimension_semantics<subcore_parallel>], iteration_bounds = array<i64: 2, 16>, scalar_prefetch = 0 : i64, scratch_operands = 10 : i64, tpu.core_type = #tpu.core_type<sc_vector_subcore>, window_params = [{transform_indices = #map}, {transform_indices = #map}, {transform_indices = #map}, {transform_indices = #map}, {transform_indices = #map}, {transform_indices = #map1}]} {
    %mul3A = arith.constant 2 : i32
    %mul3A_0 = arith.muli %arg1, %mul3A : i32
    %add3A = arith.addi %mul3A_0, %arg0 : i32
    %scan3A = arith.constant 0 : i32
    %scan3A_1 = arith.constant 0 : i32
    %scan3A_2 = arith.constant 392 : i32
    %scan3A_3 = arith.addi %scan3A_1, %scan3A_2 : i32
    %scan3A_4 = arith.constant 1 : i32
    %scan3A_5 = scf.for %scan3A_39 = %scan3A_1 to %scan3A_3 step %scan3A_4 iter_args(%scan3A_40 = %scan3A) -> (i32)  : i32 {
      %broadcast_in_dim3A = arith.constant 0.000000e+00 : f32
      %broadcast_in_dim3A_41 = vector.broadcast %broadcast_in_dim3A : f32 to vector<16xf32>
      %mul3A_42 = arith.constant 16 : i32
      %mul3A_43 = arith.muli %scan3A_39, %mul3A_42 : i32
      %swap3A = arith.index_cast %mul3A_43 : i32 to index
      %swap3A_44 = tpu.vector_load %arg16[%swap3A] {strides = array<i32>} : memref<6272xf32, #tpu.memory_space<vmem>>, vector<16xf32>,
      %swap3A_45 = vector.shape_cast %swap3A_44 : vector<16xf32> to vector<16xf32>
      %swap3A_46 = vector.shape_cast %broadcast_in_dim3A_41 : vector<16xf32> to vector<16xf32>
      tpu.vector_store %arg16[%swap3A], %swap3A_46 {strides = array<i32>} : memref<6272xf32, #tpu.memory_space<vmem>>, vector<16xf32>,
      %scan3A_47 = arith.constant 0 : i32
      scf.yield %scan3A_47 : i32
    }
    %scan3A_6 = arith.constant 392 : i32
    %mul3A_7 = arith.constant 6272 : i32
    %mul3A_8 = arith.muli %arg1, %mul3A_7 : i32
    "tpu.region"() ({
      %run_scoped3A = tpu.sem_alloc : memref<!tpu.dma_semaphore, #tpu.memory_space<semaphore_mem>>
      %dma_start3A = tpu.memref_slice %arg13[%mul3A_8] : memref<100352xf32, #tpu.memory_space<vmem_shared>> -> memref<6272xf32, #tpu.memory_space<vmem_shared>>
      %dma_start3A_39 = tpu.memref_slice %arg13[%mul3A_8] : memref<100352xf32, #tpu.memory_space<vmem_shared>> -> memref<6272xf32, #tpu.memory_space<vmem_shared>>
      tpu.enqueue_dma source(%arg16 : memref<6272xf32, #tpu.memory_space<vmem>>) target(%dma_start3A_39 : memref<6272xf32, #tpu.memory_space<vmem_shared>>) target_semaphore(%run_scoped3A : memref<!tpu.dma_semaphore, #tpu.memory_space<semaphore_mem>>)
      %dma_wait3A = tpu.memref_slice %arg13[%mul3A_8] : memref<100352xf32, #tpu.memory_space<vmem_shared>> -> memref<6272xf32, #tpu.memory_space<vmem_shared>>
      %dma_wait3A_40 = tpu.memref_slice %arg13[%mul3A_8] : memref<100352xf32, #tpu.memory_space<vmem_shared>> -> memref<6272xf32, #tpu.memory_space<vmem_shared>>
      tpu.wait_dma2 semaphore(%run_scoped3A : memref<!tpu.dma_semaphore, #tpu.memory_space<semaphore_mem>>) src(%arg16 : memref<6272xf32, #tpu.memory_space<vmem>>) dst(%dma_wait3A_40 : memref<6272xf32, #tpu.memory_space<vmem_shared>>)
      tpu.yield
    }) : () -> ()
    "tpu.region"() ({
      %run_scoped3A = tpu.sem_alloc : memref<!tpu.dma_semaphore, #tpu.memory_space<semaphore_mem>>
      %dma_start3A = tpu.memref_slice %arg14[%mul3A_8] : memref<100352xf32, #tpu.memory_space<vmem_shared>> -> memref<6272xf32, #tpu.memory_space<vmem_shared>>
      %dma_start3A_39 = tpu.memref_slice %arg2[%mul3A_8] : memref<100352xf32, #tpu.memory_space<hbm>> -> memref<6272xf32, #tpu.memory_space<hbm>>
      tpu.enqueue_dma source(%dma_start3A_39 : memref<6272xf32, #tpu.memory_space<hbm>>) target(%dma_start3A : memref<6272xf32, #tpu.memory_space<vmem_shared>>) target_semaphore(%run_scoped3A : memref<!tpu.dma_semaphore, #tpu.memory_space<semaphore_mem>>)
      %dma_wait3A = tpu.memref_slice %arg14[%mul3A_8] : memref<100352xf32, #tpu.memory_space<vmem_shared>> -> memref<6272xf32, #tpu.memory_space<vmem_shared>>
      %dma_wait3A_40 = tpu.memref_slice %arg2[%mul3A_8] : memref<100352xf32, #tpu.memory_space<hbm>> -> memref<6272xf32, #tpu.memory_space<hbm>>
      tpu.wait_dma2 semaphore(%run_scoped3A : memref<!tpu.dma_semaphore, #tpu.memory_space<semaphore_mem>>) src(%dma_wait3A_40 : memref<6272xf32, #tpu.memory_space<hbm>>) dst(%dma_wait3A : memref<6272xf32, #tpu.memory_space<vmem_shared>>)
      tpu.yield
    }) : () -> ()
    "tpu.region"() ({
      %run_scoped3A = tpu.sem_alloc : memref<!tpu.dma_semaphore, #tpu.memory_space<semaphore_mem>>
      %dma_start3A = tpu.memref_slice %arg15[%mul3A_8] : memref<100352xf32, #tpu.memory_space<vmem_shared>> -> memref<6272xf32, #tpu.memory_space<vmem_shared>>
      %dma_start3A_39 = tpu.memref_slice %arg3[%mul3A_8] : memref<100352xf32, #tpu.memory_space<hbm>> -> memref<6272xf32, #tpu.memory_space<hbm>>
      tpu.enqueue_dma source(%dma_start3A_39 : memref<6272xf32, #tpu.memory_space<hbm>>) target(%dma_start3A : memref<6272xf32, #tpu.memory_space<vmem_shared>>) target_semaphore(%run_scoped3A : memref<!tpu.dma_semaphore, #tpu.memory_space<semaphore_mem>>)
      %dma_wait3A = tpu.memref_slice %arg15[%mul3A_8] : memref<100352xf32, #tpu.memory_space<vmem_shared>> -> memref<6272xf32, #tpu.memory_space<vmem_shared>>
      %dma_wait3A_40 = tpu.memref_slice %arg3[%mul3A_8] : memref<100352xf32, #tpu.memory_space<hbm>> -> memref<6272xf32, #tpu.memory_space<hbm>>
      tpu.wait_dma2 semaphore(%run_scoped3A : memref<!tpu.dma_semaphore, #tpu.memory_space<semaphore_mem>>) src(%dma_wait3A_40 : memref<6272xf32, #tpu.memory_space<hbm>>) dst(%dma_wait3A : memref<6272xf32, #tpu.memory_space<vmem_shared>>)
      tpu.yield
    }) : () -> ()
    "tpu.region"() ({
      %run_scoped3A = tpu.sem_alloc : memref<!tpu.dma_semaphore, #tpu.memory_space<semaphore_mem>>
      tpu.enqueue_dma source(%arg6 : memref<16xf32, #tpu.memory_space<hbm>>) target(%arg12 : memref<16xf32, #tpu.memory_space<vmem>>) target_semaphore(%run_scoped3A : memref<!tpu.dma_semaphore, #tpu.memory_space<semaphore_mem>>)
      tpu.wait_dma2 semaphore(%run_scoped3A : memref<!tpu.dma_semaphore, #tpu.memory_space<semaphore_mem>>) src(%arg6 : memref<16xf32, #tpu.memory_space<hbm>>) dst(%arg12 : memref<16xf32, #tpu.memory_space<vmem>>)
      tpu.yield
    }) : () -> ()
    %barrier3A = arith.constant 0 : index
    tpu.barrier barrier_id(%barrier3A)
    %get3A = arith.constant 0 : index
    %get3A_9 = tpu.vector_load %arg12[%get3A] {strides = array<i32>} : memref<16xf32, #tpu.memory_space<vmem>>, vector<16xf32>,
    %get3A_10 = vector.shape_cast %get3A_9 : vector<16xf32> to vector<16xf32>
    %slice3A = vector.extract_strided_slice %get3A_10 {offsets = [0], sizes = [1], strides = [1]} : vector<16xf32> to vector<1xf32>
    %squeeze3A = vector.extract %slice3A[0] : f32 from vector<1xf32>
    %max3A = arith.constant 0.000000e+00 : f32
    %max3A_11 = arith.maximumf %squeeze3A, %max3A : f32
    %slice3A_12 = vector.extract_strided_slice %get3A_10 {offsets = [1], sizes = [1], strides = [1]} : vector<16xf32> to vector<1xf32>
    %squeeze3A_13 = vector.extract %slice3A_12[0] : f32 from vector<1xf32>
    %max3A_14 = arith.constant 0.000000e+00 : f32
    %max3A_15 = arith.maximumf %squeeze3A_13, %max3A_14 : f32
    %slice3A_16 = vector.extract_strided_slice %get3A_10 {offsets = [2], sizes = [1], strides = [1]} : vector<16xf32> to vector<1xf32>
    %squeeze3A_17 = vector.extract %slice3A_16[0] : f32 from vector<1xf32>
    %mul3A_18 = arith.mulf %max3A_11, %squeeze3A_17 : f32
    %slice3A_19 = vector.extract_strided_slice %get3A_10 {offsets = [3], sizes = [1], strides = [1]} : vector<16xf32> to vector<1xf32>
    %squeeze3A_20 = vector.extract %slice3A_19[0] : f32 from vector<1xf32>
    %mul3A_21 = arith.mulf %max3A_15, %squeeze3A_20 : f32
    %add3A_22 = arith.addf %mul3A_18, %mul3A_21 : f32
    %slice3A_23 = vector.extract_strided_slice %get3A_10 {offsets = [4], sizes = [1], strides = [1]} : vector<16xf32> to vector<1xf32>
    %squeeze3A_24 = vector.extract %slice3A_23[0] : f32 from vector<1xf32>
    %slice3A_25 = vector.extract_strided_slice %get3A_10 {offsets = [5], sizes = [1], strides = [1]} : vector<16xf32> to vector<1xf32>
    %squeeze3A_26 = vector.extract %slice3A_25[0] : f32 from vector<1xf32>
    %mul3A_27 = arith.constant 200000 : i32
    %mul3A_28 = arith.muli %add3A, %mul3A_27 : i32
    %scan3A_29 = arith.constant 0 : i32
    %scan3A_30 = arith.constant 0 : i32
    %scan3A_31 = arith.constant 25 : i32
    %scan3A_32 = arith.addi %scan3A_30, %scan3A_31 : i32
    %scan3A_33 = arith.constant 1 : i32
    %scan3A_34 = scf.for %scan3A_39 = %scan3A_30 to %scan3A_32 step %scan3A_33 iter_args(%scan3A_40 = %scan3A_29) -> (i32)  : i32 {
      %mul3A_41 = arith.constant 8000 : i32
      %mul3A_42 = arith.muli %scan3A_39, %mul3A_41 : i32
      %add3A_43 = arith.addi %mul3A_28, %mul3A_42 : i32
      "tpu.region"() ({
        %run_scoped3A = tpu.sem_alloc : memref<!tpu.dma_semaphore, #tpu.memory_space<semaphore_mem>>
        %dma_start3A_58 = tpu.memref_slice %arg4[%add3A_43] : memref<6400000xi32, #tpu.memory_space<hbm>> -> memref<8000xi32, #tpu.memory_space<hbm>>
        %dma_start3A_59 = tpu.memref_slice %arg4[%add3A_43] : memref<6400000xi32, #tpu.memory_space<hbm>> -> memref<8000xi32, #tpu.memory_space<hbm>>
        tpu.enqueue_dma source(%dma_start3A_59 : memref<8000xi32, #tpu.memory_space<hbm>>) target(%arg8 : memref<8000xi32, #tpu.memory_space<vmem>>) target_semaphore(%run_scoped3A : memref<!tpu.dma_semaphore, #tpu.memory_space<semaphore_mem>>)
        %dma_wait3A_60 = tpu.memref_slice %arg4[%add3A_43] : memref<6400000xi32, #tpu.memory_space<hbm>> -> memref<8000xi32, #tpu.memory_space<hbm>>
        %dma_wait3A_61 = tpu.memref_slice %arg4[%add3A_43] : memref<6400000xi32, #tpu.memory_space<hbm>> -> memref<8000xi32, #tpu.memory_space<hbm>>
        tpu.wait_dma2 semaphore(%run_scoped3A : memref<!tpu.dma_semaphore, #tpu.memory_space<semaphore_mem>>) src(%dma_wait3A_61 : memref<8000xi32, #tpu.memory_space<hbm>>) dst(%arg8 : memref<8000xi32, #tpu.memory_space<vmem>>)
        tpu.yield
      }) : () -> ()
      "tpu.region"() ({
        %run_scoped3A = tpu.sem_alloc : memref<!tpu.dma_semaphore, #tpu.memory_space<semaphore_mem>>
        %dma_start3A_58 = tpu.memref_slice %arg5[%add3A_43] : memref<6400000xi32, #tpu.memory_space<hbm>> -> memref<8000xi32, #tpu.memory_space<hbm>>
        %dma_start3A_59 = tpu.memref_slice %arg5[%add3A_43] : memref<6400000xi32, #tpu.memory_space<hbm>> -> memref<8000xi32, #tpu.memory_space<hbm>>
        tpu.enqueue_dma source(%dma_start3A_59 : memref<8000xi32, #tpu.memory_space<hbm>>) target(%arg9 : memref<8000xi32, #tpu.memory_space<vmem>>) target_semaphore(%run_scoped3A : memref<!tpu.dma_semaphore, #tpu.memory_space<semaphore_mem>>)
        %dma_wait3A_60 = tpu.memref_slice %arg5[%add3A_43] : memref<6400000xi32, #tpu.memory_space<hbm>> -> memref<8000xi32, #tpu.memory_space<hbm>>
        %dma_wait3A_61 = tpu.memref_slice %arg5[%add3A_43] : memref<6400000xi32, #tpu.memory_space<hbm>> -> memref<8000xi32, #tpu.memory_space<hbm>>
        tpu.wait_dma2 semaphore(%run_scoped3A : memref<!tpu.dma_semaphore, #tpu.memory_space<semaphore_mem>>) src(%dma_wait3A_61 : memref<8000xi32, #tpu.memory_space<hbm>>) dst(%arg9 : memref<8000xi32, #tpu.memory_space<vmem>>)
        tpu.yield
      }) : () -> ()
      %dma_start3A = arith.constant 0 : i32
      %dma_start3A_44 = tpu.memref_slice %arg14[%dma_start3A] : memref<100352xf32, #tpu.memory_space<vmem_shared>> -> memref<100352xf32, #tpu.memory_space<vmem_shared>>
      tpu.enqueue_indirect_dma source(%dma_start3A_44 : memref<100352xf32, #tpu.memory_space<vmem_shared>>) target(%arg10 : memref<8000xf32, #tpu.memory_space<vmem>>) offsets(%arg9 : memref<8000xi32, #tpu.memory_space<vmem>>) semaphore(%arg17 : memref<!tpu.dma_semaphore, #tpu.memory_space<semaphore_mem>>)
      %dma_wait3A = arith.constant 0 : i32
      %dma_wait3A_45 = tpu.memref_slice %arg14[%dma_wait3A] : memref<100352xf32, #tpu.memory_space<vmem_shared>> -> memref<100352xf32, #tpu.memory_space<vmem_shared>>
      tpu.wait_indirect_dma semaphore(%arg17 : memref<!tpu.dma_semaphore, #tpu.memory_space<semaphore_mem>>) src(%dma_wait3A_45 : memref<100352xf32, #tpu.memory_space<vmem_shared>>) dst(%arg10 : memref<8000xf32, #tpu.memory_space<vmem>>)
      %dma_start3A_46 = arith.constant 0 : i32
      %dma_start3A_47 = tpu.memref_slice %arg15[%dma_start3A_46] : memref<100352xf32, #tpu.memory_space<vmem_shared>> -> memref<100352xf32, #tpu.memory_space<vmem_shared>>
      tpu.enqueue_indirect_dma source(%dma_start3A_47 : memref<100352xf32, #tpu.memory_space<vmem_shared>>) target(%arg11 : memref<8000xf32, #tpu.memory_space<vmem>>) offsets(%arg8 : memref<8000xi32, #tpu.memory_space<vmem>>) semaphore(%arg17 : memref<!tpu.dma_semaphore, #tpu.memory_space<semaphore_mem>>)
      %dma_wait3A_48 = arith.constant 0 : i32
      %dma_wait3A_49 = tpu.memref_slice %arg15[%dma_wait3A_48] : memref<100352xf32, #tpu.memory_space<vmem_shared>> -> memref<100352xf32, #tpu.memory_space<vmem_shared>>
      tpu.wait_indirect_dma semaphore(%arg17 : memref<!tpu.dma_semaphore, #tpu.memory_space<semaphore_mem>>) src(%dma_wait3A_49 : memref<100352xf32, #tpu.memory_space<vmem_shared>>) dst(%arg11 : memref<8000xf32, #tpu.memory_space<vmem>>)
      %scan3A_50 = arith.constant 0 : i32
      %scan3A_51 = arith.constant 0 : i32
      %scan3A_52 = arith.constant 500 : i32
      %scan3A_53 = arith.addi %scan3A_51, %scan3A_52 : i32
      %scan3A_54 = arith.constant 1 : i32
      %scan3A_55 = scf.for %scan3A_58 = %scan3A_51 to %scan3A_53 step %scan3A_54 iter_args(%scan3A_59 = %scan3A_50) -> (i32)  : i32 {
        %mul3A_60 = arith.constant 16 : i32
        %mul3A_61 = arith.muli %scan3A_58, %mul3A_60 : i32
        %get3A_62 = arith.index_cast %mul3A_61 : i32 to index
        %get3A_63 = tpu.vector_load %arg10[%get3A_62] {strides = array<i32>} : memref<8000xf32, #tpu.memory_space<vmem>>, vector<16xf32>,
        %get3A_64 = vector.shape_cast %get3A_63 : vector<16xf32> to vector<16xf32>
        %get3A_65 = arith.index_cast %mul3A_61 : i32 to index
        %get3A_66 = tpu.vector_load %arg11[%get3A_65] {strides = array<i32>} : memref<8000xf32, #tpu.memory_space<vmem>>, vector<16xf32>,
        %get3A_67 = vector.shape_cast %get3A_66 : vector<16xf32> to vector<16xf32>
        %add3A_68 = arith.addf %get3A_64, %get3A_67 : vector<16xf32>
        %add3A_69 = vector.broadcast %squeeze3A_24 : f32 to vector<16xf32>
        %add3A_70 = arith.addf %add3A_68, %add3A_69 : vector<16xf32>
        %max3A_71 = arith.constant 0.000000e+00 : f32
        %max3A_72 = vector.broadcast %max3A_71 : f32 to vector<16xf32>
        %max3A_73 = arith.maximumf %add3A_70, %max3A_72 : vector<16xf32>
        %mul3A_74 = vector.broadcast %add3A_22 : f32 to vector<16xf32>
        %mul3A_75 = arith.mulf %mul3A_74, %max3A_73 : vector<16xf32>
        %add3A_76 = vector.broadcast %squeeze3A_26 : f32 to vector<16xf32>
        %add3A_77 = arith.addf %mul3A_75, %add3A_76 : vector<16xf32>
        %neg3A = arith.constant 0.000000e+00 : f32
        %neg3A_78 = vector.broadcast %neg3A : f32 to vector<16xf32>
        %neg3A_79 = arith.subf %neg3A_78, %add3A_77 : vector<16xf32>
        %exp3A = math.exp %neg3A_79 : vector<16xf32>
        %add3A_80 = arith.constant 1.000000e+00 : f32
        %add3A_81 = vector.broadcast %add3A_80 : f32 to vector<16xf32>
        %add3A_82 = arith.addf %add3A_81, %exp3A : vector<16xf32>
        %div3A = arith.divf %max3A_73, %add3A_82 : vector<16xf32>
        %swap3A = arith.index_cast %mul3A_61 : i32 to index
        %swap3A_83 = tpu.vector_load %arg10[%swap3A] {strides = array<i32>} : memref<8000xf32, #tpu.memory_space<vmem>>, vector<16xf32>,
        %swap3A_84 = vector.shape_cast %swap3A_83 : vector<16xf32> to vector<16xf32>
        %swap3A_85 = vector.shape_cast %div3A : vector<16xf32> to vector<16xf32>
        tpu.vector_store %arg10[%swap3A], %swap3A_85 {strides = array<i32>} : memref<8000xf32, #tpu.memory_space<vmem>>, vector<16xf32>,
        %scan3A_86 = arith.constant 0 : i32
        scf.yield %scan3A_86 : i32
      }
      %scan3A_56 = arith.constant 500 : i32
      "tpu.region"() ({
        %run_scoped3A = tpu.sem_alloc : memref<!tpu.dma_semaphore, #tpu.memory_space<semaphore_mem>>
        %dma_start3A_58 = arith.constant 0 : i32
        %dma_start3A_59 = tpu.memref_slice %arg13[%dma_start3A_58] : memref<100352xf32, #tpu.memory_space<vmem_shared>> -> memref<100352xf32, #tpu.memory_space<vmem_shared>>
        tpu.enqueue_indirect_dma source(%arg10 : memref<8000xf32, #tpu.memory_space<vmem>>) target(%dma_start3A_59 : memref<100352xf32, #tpu.memory_space<vmem_shared>>) offsets(%arg9 : memref<8000xi32, #tpu.memory_space<vmem>>) semaphore(%run_scoped3A : memref<!tpu.dma_semaphore, #tpu.memory_space<semaphore_mem>>) {add = true}
        %dma_wait3A_60 = arith.constant 0 : i32
        %dma_wait3A_61 = tpu.memref_slice %arg13[%dma_wait3A_60] : memref<100352xf32, #tpu.memory_space<vmem_shared>> -> memref<100352xf32, #tpu.memory_space<vmem_shared>>
        tpu.wait_indirect_dma semaphore(%run_scoped3A : memref<!tpu.dma_semaphore, #tpu.memory_space<semaphore_mem>>) src(%arg10 : memref<8000xf32, #tpu.memory_space<vmem>>) dst(%dma_wait3A_61 : memref<100352xf32, #tpu.memory_space<vmem_shared>>)
        tpu.yield
      }) : () -> ()
      %scan3A_57 = arith.constant 0 : i32
      scf.yield %scan3A_57 : i32
    }
    %scan3A_35 = arith.constant 25 : i32
    %barrier3A_36 = arith.constant 0 : index
    tpu.barrier barrier_id(%barrier3A_36)
    %mul3A_37 = arith.constant 6272 : i32
    %mul3A_38 = arith.muli %arg1, %mul3A_37 : i32
    "tpu.region"() ({
      %run_scoped3A = tpu.sem_alloc : memref<!tpu.dma_semaphore, #tpu.memory_space<semaphore_mem>>
      %dma_start3A = tpu.memref_slice %arg7[%arg0, %mul3A_38] : memref<2x100352xf32, #tpu.memory_space<hbm>> -> memref<1x6272xf32, #tpu.memory_space<hbm>>
      %dma_start3A_39 = tpu.memref_squeeze %dma_start3A : memref<1x6272xf32, #tpu.memory_space<hbm>> -> memref<6272xf32, #tpu.memory_space<hbm>>
      %dma_start3A_40 = tpu.memref_slice %arg13[%mul3A_38] : memref<100352xf32, #tpu.memory_space<vmem_shared>> -> memref<6272xf32, #tpu.memory_space<vmem_shared>>
      tpu.enqueue_dma source(%dma_start3A_40 : memref<6272xf32, #tpu.memory_space<vmem_shared>>) target(%dma_start3A_39 : memref<6272xf32, #tpu.memory_space<hbm>>) target_semaphore(%run_scoped3A : memref<!tpu.dma_semaphore, #tpu.memory_space<semaphore_mem>>)
      %dma_wait3A = tpu.memref_slice %arg7[%arg0, %mul3A_38] : memref<2x100352xf32, #tpu.memory_space<hbm>> -> memref<1x6272xf32, #tpu.memory_space<hbm>>
      %dma_wait3A_41 = tpu.memref_squeeze %dma_wait3A : memref<1x6272xf32, #tpu.memory_space<hbm>> -> memref<6272xf32, #tpu.memory_space<hbm>>
      %dma_wait3A_42 = tpu.memref_slice %arg13[%mul3A_38] : memref<100352xf32, #tpu.memory_space<vmem_shared>> -> memref<6272xf32, #tpu.memory_space<vmem_shared>>
      tpu.wait_dma2 semaphore(%run_scoped3A : memref<!tpu.dma_semaphore, #tpu.memory_space<semaphore_mem>>) src(%dma_wait3A_42 : memref<6272xf32, #tpu.memory_space<vmem_shared>>) dst(%dma_wait3A_41 : memref<6272xf32, #tpu.memory_space<hbm>>)
      tpu.yield
    }) : () -> ()
    return
  }
}

module attributes {stable_mosaic.version = 14 : i64} {
  func.func @_uv_body(%arg0: memref<4x1xf32, #tpu.memory_space<smem>>, %arg1: memref<784x128xf32, #tpu.memory_space<vmem>>, %arg2: memref<784x128xf32, #tpu.memory_space<vmem>>, %arg3: memref<784x128xf32, #tpu.memory_space<vmem>>, %arg4: memref<784x128xf32, #tpu.memory_space<vmem>>) attributes {dimension_semantics = [], scalar_prefetch = 0 : i64, scratch_operands = 0 : i64, tpu.core_type = #tpu.core_type<tc>} {
    %get3A = arith.constant 0 : index
    %get3A_0 = arith.constant 0 : index
    %get3A_1 = vector.load %arg1[%get3A, %get3A_0] : memref<784x128xf32, #tpu.memory_space<vmem>>, vector<784x128xf32>
    %get3A_2 = arith.constant 0 : index
    %get3A_3 = arith.constant 0 : index
    %get3A_4 = vector.load %arg2[%get3A_2, %get3A_3] : memref<784x128xf32, #tpu.memory_space<vmem>>, vector<784x128xf32>
    %get3A_5 = arith.constant 0 : index
    %get3A_6 = arith.constant 0 : index
    %get3A_7 = memref.load %arg0[%get3A_5, %get3A_6] : memref<4x1xf32, #tpu.memory_space<smem>>
    %mul3A = vector.broadcast %get3A_7 : f32 to vector<784x128xf32>
    %mul3A_8 = arith.mulf %mul3A, %get3A_1 : vector<784x128xf32>
    %get3A_9 = arith.constant 1 : index
    %get3A_10 = arith.constant 0 : index
    %get3A_11 = memref.load %arg0[%get3A_9, %get3A_10] : memref<4x1xf32, #tpu.memory_space<smem>>
    %mul3A_12 = vector.broadcast %get3A_11 : f32 to vector<784x128xf32>
    %mul3A_13 = arith.mulf %mul3A_12, %get3A_4 : vector<784x128xf32>
    %add3A = arith.addf %mul3A_8, %mul3A_13 : vector<784x128xf32>
    %swap3A = arith.constant 0 : index
    %swap3A_14 = arith.constant 0 : index
    %swap3A_15 = vector.load %arg3[%swap3A, %swap3A_14] : memref<784x128xf32, #tpu.memory_space<vmem>>, vector<784x128xf32>
    tpu.vector_store %arg3[%swap3A, %swap3A_14], %add3A {strides = array<i32>} : memref<784x128xf32, #tpu.memory_space<vmem>>, vector<784x128xf32>,
    %get3A_16 = arith.constant 2 : index
    %get3A_17 = arith.constant 0 : index
    %get3A_18 = memref.load %arg0[%get3A_16, %get3A_17] : memref<4x1xf32, #tpu.memory_space<smem>>
    %mul3A_19 = vector.broadcast %get3A_18 : f32 to vector<784x128xf32>
    %mul3A_20 = arith.mulf %mul3A_19, %get3A_1 : vector<784x128xf32>
    %get3A_21 = arith.constant 3 : index
    %get3A_22 = arith.constant 0 : index
    %get3A_23 = memref.load %arg0[%get3A_21, %get3A_22] : memref<4x1xf32, #tpu.memory_space<smem>>
    %mul3A_24 = vector.broadcast %get3A_23 : f32 to vector<784x128xf32>
    %mul3A_25 = arith.mulf %mul3A_24, %get3A_4 : vector<784x128xf32>
    %add3A_26 = arith.addf %mul3A_20, %mul3A_25 : vector<784x128xf32>
    %swap3A_27 = arith.constant 0 : index
    %swap3A_28 = arith.constant 0 : index
    %swap3A_29 = vector.load %arg4[%swap3A_27, %swap3A_28] : memref<784x128xf32, #tpu.memory_space<vmem>>, vector<784x128xf32>
    tpu.vector_store %arg4[%swap3A_27, %swap3A_28], %add3A_26 {strides = array<i32>} : memref<784x128xf32, #tpu.memory_space<vmem>>, vector<784x128xf32>,
    return
  }
}

module attributes {stable_mosaic.version = 14 : i64} {
  func.func @_head_body(%arg0: memref<1x2xf32, #tpu.memory_space<smem>>, %arg1: memref<4x2xf32, #tpu.memory_space<smem>>, %arg2: memref<2xf32, #tpu.memory_space<smem>>, %arg3: memref<2x2xf32, #tpu.memory_space<smem>>, %arg4: memref<2xf32, #tpu.memory_space<smem>>, %arg5: memref<2x2xf32, #tpu.memory_space<smem>>, %arg6: memref<2xf32, #tpu.memory_space<smem>>, %arg7: memref<2x1xf32, #tpu.memory_space<smem>>, %arg8: memref<1xf32, #tpu.memory_space<smem>>, %arg9: memref<2x784x128xf32, #tpu.memory_space<vmem>>, %arg10: memref<784x128xf32, #tpu.memory_space<vmem>>, %arg11: memref<784x128xf32, #tpu.memory_space<vmem>>, %arg12: memref<784x128xf32, #tpu.memory_space<vmem>>) attributes {dimension_semantics = [], scalar_prefetch = 0 : i64, scratch_operands = 0 : i64, tpu.core_type = #tpu.core_type<tc>} {
    %get3A = arith.constant 0 : index
    %get3A_0 = arith.constant 0 : index
    %get3A_1 = arith.constant 0 : index
    %get3A_2 = vector.load %arg9[%get3A, %get3A_0, %get3A_1] : memref<2x784x128xf32, #tpu.memory_space<vmem>>, vector<1x784x128xf32>
    %get3A_3 = vector.shape_cast %get3A_2 : vector<1x784x128xf32> to vector<784x128xf32>
    %get3A_4 = arith.constant 1 : index
    %get3A_5 = arith.constant 0 : index
    %get3A_6 = arith.constant 0 : index
    %get3A_7 = vector.load %arg9[%get3A_4, %get3A_5, %get3A_6] : memref<2x784x128xf32, #tpu.memory_space<vmem>>, vector<1x784x128xf32>
    %get3A_8 = vector.shape_cast %get3A_7 : vector<1x784x128xf32> to vector<784x128xf32>
    %add3A = arith.addf %get3A_3, %get3A_8 : vector<784x128xf32>
    %get3A_9 = arith.constant 0 : index
    %get3A_10 = arith.constant 0 : index
    %get3A_11 = memref.load %arg0[%get3A_9, %get3A_10] : memref<1x2xf32, #tpu.memory_space<smem>>
    %max3A = arith.constant 0.000000e+00 : f32
    %max3A_12 = arith.maximumf %get3A_11, %max3A : f32
    %get3A_13 = arith.constant 0 : index
    %get3A_14 = arith.constant 1 : index
    %get3A_15 = memref.load %arg0[%get3A_13, %get3A_14] : memref<1x2xf32, #tpu.memory_space<smem>>
    %max3A_16 = arith.constant 0.000000e+00 : f32
    %max3A_17 = arith.maximumf %get3A_15, %max3A_16 : f32
    %mul3A = vector.broadcast %max3A_12 : f32 to vector<784x128xf32>
    %mul3A_18 = arith.mulf %add3A, %mul3A : vector<784x128xf32>
    %mul3A_19 = vector.broadcast %max3A_17 : f32 to vector<784x128xf32>
    %mul3A_20 = arith.mulf %add3A, %mul3A_19 : vector<784x128xf32>
    %get3A_21 = arith.constant 0 : index
    %get3A_22 = arith.constant 0 : index
    %get3A_23 = vector.load %arg10[%get3A_21, %get3A_22] : memref<784x128xf32, #tpu.memory_space<vmem>>, vector<784x128xf32>
    %get3A_24 = arith.constant 0 : index
    %get3A_25 = arith.constant 0 : index
    %get3A_26 = vector.load %arg11[%get3A_24, %get3A_25] : memref<784x128xf32, #tpu.memory_space<vmem>>, vector<784x128xf32>
    %get3A_27 = arith.constant 0 : index
    %get3A_28 = arith.constant 0 : index
    %get3A_29 = memref.load %arg1[%get3A_27, %get3A_28] : memref<4x2xf32, #tpu.memory_space<smem>>
    %mul3A_30 = vector.broadcast %get3A_29 : f32 to vector<784x128xf32>
    %mul3A_31 = arith.mulf %mul3A_18, %mul3A_30 : vector<784x128xf32>
    %get3A_32 = arith.constant 1 : index
    %get3A_33 = arith.constant 0 : index
    %get3A_34 = memref.load %arg1[%get3A_32, %get3A_33] : memref<4x2xf32, #tpu.memory_space<smem>>
    %mul3A_35 = vector.broadcast %get3A_34 : f32 to vector<784x128xf32>
    %mul3A_36 = arith.mulf %mul3A_20, %mul3A_35 : vector<784x128xf32>
    %add3A_37 = arith.addf %mul3A_31, %mul3A_36 : vector<784x128xf32>
    %get3A_38 = arith.constant 2 : index
    %get3A_39 = arith.constant 0 : index
    %get3A_40 = memref.load %arg1[%get3A_38, %get3A_39] : memref<4x2xf32, #tpu.memory_space<smem>>
    %mul3A_41 = vector.broadcast %get3A_40 : f32 to vector<784x128xf32>
    %mul3A_42 = arith.mulf %get3A_23, %mul3A_41 : vector<784x128xf32>
    %add3A_43 = arith.addf %add3A_37, %mul3A_42 : vector<784x128xf32>
    %get3A_44 = arith.constant 3 : index
    %get3A_45 = arith.constant 0 : index
    %get3A_46 = memref.load %arg1[%get3A_44, %get3A_45] : memref<4x2xf32, #tpu.memory_space<smem>>
    %mul3A_47 = vector.broadcast %get3A_46 : f32 to vector<784x128xf32>
    %mul3A_48 = arith.mulf %get3A_26, %mul3A_47 : vector<784x128xf32>
    %add3A_49 = arith.addf %add3A_43, %mul3A_48 : vector<784x128xf32>
    %get3A_50 = arith.constant 0 : index
    %get3A_51 = memref.load %arg2[%get3A_50] : memref<2xf32, #tpu.memory_space<smem>>
    %add3A_52 = vector.broadcast %get3A_51 : f32 to vector<784x128xf32>
    %add3A_53 = arith.addf %add3A_49, %add3A_52 : vector<784x128xf32>
    %max3A_54 = arith.constant 0.000000e+00 : f32
    %max3A_55 = vector.broadcast %max3A_54 : f32 to vector<784x128xf32>
    %max3A_56 = arith.maximumf %add3A_53, %max3A_55 : vector<784x128xf32>
    %get3A_57 = arith.constant 0 : index
    %get3A_58 = arith.constant 1 : index
    %get3A_59 = memref.load %arg1[%get3A_57, %get3A_58] : memref<4x2xf32, #tpu.memory_space<smem>>
    %mul3A_60 = vector.broadcast %get3A_59 : f32 to vector<784x128xf32>
    %mul3A_61 = arith.mulf %mul3A_18, %mul3A_60 : vector<784x128xf32>
    %get3A_62 = arith.constant 1 : index
    %get3A_63 = arith.constant 1 : index
    %get3A_64 = memref.load %arg1[%get3A_62, %get3A_63] : memref<4x2xf32, #tpu.memory_space<smem>>
    %mul3A_65 = vector.broadcast %get3A_64 : f32 to vector<784x128xf32>
    %mul3A_66 = arith.mulf %mul3A_20, %mul3A_65 : vector<784x128xf32>
    %add3A_67 = arith.addf %mul3A_61, %mul3A_66 : vector<784x128xf32>
    %get3A_68 = arith.constant 2 : index
    %get3A_69 = arith.constant 1 : index
    %get3A_70 = memref.load %arg1[%get3A_68, %get3A_69] : memref<4x2xf32, #tpu.memory_space<smem>>
    %mul3A_71 = vector.broadcast %get3A_70 : f32 to vector<784x128xf32>
    %mul3A_72 = arith.mulf %get3A_23, %mul3A_71 : vector<784x128xf32>
    %add3A_73 = arith.addf %add3A_67, %mul3A_72 : vector<784x128xf32>
    %get3A_74 = arith.constant 3 : index
    %get3A_75 = arith.constant 1 : index
    %get3A_76 = memref.load %arg1[%get3A_74, %get3A_75] : memref<4x2xf32, #tpu.memory_space<smem>>
    %mul3A_77 = vector.broadcast %get3A_76 : f32 to vector<784x128xf32>
    %mul3A_78 = arith.mulf %get3A_26, %mul3A_77 : vector<784x128xf32>
    %add3A_79 = arith.addf %add3A_73, %mul3A_78 : vector<784x128xf32>
    %get3A_80 = arith.constant 1 : index
    %get3A_81 = memref.load %arg2[%get3A_80] : memref<2xf32, #tpu.memory_space<smem>>
    %add3A_82 = vector.broadcast %get3A_81 : f32 to vector<784x128xf32>
    %add3A_83 = arith.addf %add3A_79, %add3A_82 : vector<784x128xf32>
    %max3A_84 = arith.constant 0.000000e+00 : f32
    %max3A_85 = vector.broadcast %max3A_84 : f32 to vector<784x128xf32>
    %max3A_86 = arith.maximumf %add3A_83, %max3A_85 : vector<784x128xf32>
    %get3A_87 = arith.constant 0 : index
    %get3A_88 = arith.constant 0 : index
    %get3A_89 = memref.load %arg3[%get3A_87, %get3A_88] : memref<2x2xf32, #tpu.memory_space<smem>>
    %mul3A_90 = vector.broadcast %get3A_89 : f32 to vector<784x128xf32>
    %mul3A_91 = arith.mulf %max3A_56, %mul3A_90 : vector<784x128xf32>
    %get3A_92 = arith.constant 1 : index
    %get3A_93 = arith.constant 0 : index
    %get3A_94 = memref.load %arg3[%get3A_92, %get3A_93] : memref<2x2xf32, #tpu.memory_space<smem>>
    %mul3A_95 = vector.broadcast %get3A_94 : f32 to vector<784x128xf32>
    %mul3A_96 = arith.mulf %max3A_86, %mul3A_95 : vector<784x128xf32>
    %add3A_97 = arith.addf %mul3A_91, %mul3A_96 : vector<784x128xf32>
    %get3A_98 = arith.constant 0 : index
    %get3A_99 = memref.load %arg4[%get3A_98] : memref<2xf32, #tpu.memory_space<smem>>
    %add3A_100 = vector.broadcast %get3A_99 : f32 to vector<784x128xf32>
    %add3A_101 = arith.addf %add3A_97, %add3A_100 : vector<784x128xf32>
    %add3A_102 = arith.addf %add3A_101, %get3A_23 : vector<784x128xf32>
    %get3A_103 = arith.constant 0 : index
    %get3A_104 = arith.constant 1 : index
    %get3A_105 = memref.load %arg3[%get3A_103, %get3A_104] : memref<2x2xf32, #tpu.memory_space<smem>>
    %mul3A_106 = vector.broadcast %get3A_105 : f32 to vector<784x128xf32>
    %mul3A_107 = arith.mulf %max3A_56, %mul3A_106 : vector<784x128xf32>
    %get3A_108 = arith.constant 1 : index
    %get3A_109 = arith.constant 1 : index
    %get3A_110 = memref.load %arg3[%get3A_108, %get3A_109] : memref<2x2xf32, #tpu.memory_space<smem>>
    %mul3A_111 = vector.broadcast %get3A_110 : f32 to vector<784x128xf32>
    %mul3A_112 = arith.mulf %max3A_86, %mul3A_111 : vector<784x128xf32>
    %add3A_113 = arith.addf %mul3A_107, %mul3A_112 : vector<784x128xf32>
    %get3A_114 = arith.constant 1 : index
    %get3A_115 = memref.load %arg4[%get3A_114] : memref<2xf32, #tpu.memory_space<smem>>
    %add3A_116 = vector.broadcast %get3A_115 : f32 to vector<784x128xf32>
    %add3A_117 = arith.addf %add3A_113, %add3A_116 : vector<784x128xf32>
    %add3A_118 = arith.addf %add3A_117, %get3A_26 : vector<784x128xf32>
    %get3A_119 = arith.constant 0 : index
    %get3A_120 = arith.constant 0 : index
    %get3A_121 = memref.load %arg5[%get3A_119, %get3A_120] : memref<2x2xf32, #tpu.memory_space<smem>>
    %mul3A_122 = vector.broadcast %get3A_121 : f32 to vector<784x128xf32>
    %mul3A_123 = arith.mulf %add3A_102, %mul3A_122 : vector<784x128xf32>
    %get3A_124 = arith.constant 1 : index
    %get3A_125 = arith.constant 0 : index
    %get3A_126 = memref.load %arg5[%get3A_124, %get3A_125] : memref<2x2xf32, #tpu.memory_space<smem>>
    %mul3A_127 = vector.broadcast %get3A_126 : f32 to vector<784x128xf32>
    %mul3A_128 = arith.mulf %add3A_118, %mul3A_127 : vector<784x128xf32>
    %add3A_129 = arith.addf %mul3A_123, %mul3A_128 : vector<784x128xf32>
    %get3A_130 = arith.constant 0 : index
    %get3A_131 = memref.load %arg6[%get3A_130] : memref<2xf32, #tpu.memory_space<smem>>
    %add3A_132 = vector.broadcast %get3A_131 : f32 to vector<784x128xf32>
    %add3A_133 = arith.addf %add3A_129, %add3A_132 : vector<784x128xf32>
    %max3A_134 = arith.constant 0.000000e+00 : f32
    %max3A_135 = vector.broadcast %max3A_134 : f32 to vector<784x128xf32>
    %max3A_136 = arith.maximumf %add3A_133, %max3A_135 : vector<784x128xf32>
    %get3A_137 = arith.constant 0 : index
    %get3A_138 = arith.constant 1 : index
    %get3A_139 = memref.load %arg5[%get3A_137, %get3A_138] : memref<2x2xf32, #tpu.memory_space<smem>>
    %mul3A_140 = vector.broadcast %get3A_139 : f32 to vector<784x128xf32>
    %mul3A_141 = arith.mulf %add3A_102, %mul3A_140 : vector<784x128xf32>
    %get3A_142 = arith.constant 1 : index
    %get3A_143 = arith.constant 1 : index
    %get3A_144 = memref.load %arg5[%get3A_142, %get3A_143] : memref<2x2xf32, #tpu.memory_space<smem>>
    %mul3A_145 = vector.broadcast %get3A_144 : f32 to vector<784x128xf32>
    %mul3A_146 = arith.mulf %add3A_118, %mul3A_145 : vector<784x128xf32>
    %add3A_147 = arith.addf %mul3A_141, %mul3A_146 : vector<784x128xf32>
    %get3A_148 = arith.constant 1 : index
    %get3A_149 = memref.load %arg6[%get3A_148] : memref<2xf32, #tpu.memory_space<smem>>
    %add3A_150 = vector.broadcast %get3A_149 : f32 to vector<784x128xf32>
    %add3A_151 = arith.addf %add3A_147, %add3A_150 : vector<784x128xf32>
    %max3A_152 = arith.constant 0.000000e+00 : f32
    %max3A_153 = vector.broadcast %max3A_152 : f32 to vector<784x128xf32>
    %max3A_154 = arith.maximumf %add3A_151, %max3A_153 : vector<784x128xf32>
    %get3A_155 = arith.constant 0 : index
    %get3A_156 = arith.constant 0 : index
    %get3A_157 = memref.load %arg7[%get3A_155, %get3A_156] : memref<2x1xf32, #tpu.memory_space<smem>>
    %mul3A_158 = vector.broadcast %get3A_157 : f32 to vector<784x128xf32>
    %mul3A_159 = arith.mulf %max3A_136, %mul3A_158 : vector<784x128xf32>
    %get3A_160 = arith.constant 1 : index
    %get3A_161 = arith.constant 0 : index
    %get3A_162 = memref.load %arg7[%get3A_160, %get3A_161] : memref<2x1xf32, #tpu.memory_space<smem>>
    %mul3A_163 = vector.broadcast %get3A_162 : f32 to vector<784x128xf32>
    %mul3A_164 = arith.mulf %max3A_154, %mul3A_163 : vector<784x128xf32>
    %add3A_165 = arith.addf %mul3A_159, %mul3A_164 : vector<784x128xf32>
    %get3A_166 = arith.constant 0 : index
    %get3A_167 = memref.load %arg8[%get3A_166] : memref<1xf32, #tpu.memory_space<smem>>
    %add3A_168 = vector.broadcast %get3A_167 : f32 to vector<784x128xf32>
    %add3A_169 = arith.addf %add3A_165, %add3A_168 : vector<784x128xf32>
    %logistic3A = arith.negf %add3A_169 : vector<784x128xf32>
    %logistic3A_170 = math.exp %logistic3A : vector<784x128xf32>
    %logistic3A_171 = arith.constant 1.000000e+00 : f32
    %logistic3A_172 = vector.broadcast %logistic3A_171 : f32 to vector<784x128xf32>
    %logistic3A_173 = arith.addf %logistic3A_172, %logistic3A_170 : vector<784x128xf32>
    %logistic3A_174 = arith.divf %logistic3A_172, %logistic3A_173 : vector<784x128xf32>
    %swap3A = arith.constant 0 : index
    %swap3A_175 = arith.constant 0 : index
    %swap3A_176 = vector.load %arg12[%swap3A, %swap3A_175] : memref<784x128xf32, #tpu.memory_space<vmem>>, vector<784x128xf32>
    tpu.vector_store %arg12[%swap3A, %swap3A_175], %logistic3A_174 {strides = array<i32>} : memref<784x128xf32, #tpu.memory_space<vmem>>, vector<784x128xf32>,
    return
  }
}

</mosaic_0001>

<sc_bundles>
// kernel: kernel.5.cloned.1.call-start
scs
__scs_entry_jumppad:
0x0: {  	(pc) =	sbr.rel $0x88, $3  }
0x1: {  	(tag) =	ssettag $0x0;
	lr =	simm.s32 $0x1  }
0x2: {  	[smem:$0x3F92] =	sst lr;
	_ =	strace $0xD0000000  }
0x3: {  	_ = 	snop  }
0x4: {  	_ = 	snop  }
0x5: {  	_ = 	snop  }
0x6: {  	_ = 	snop  }
0x7: {  	_ = 	snop  }
__scs_overlays_trampoline_lowered:
0x8: {  	[smem:$0x3FA1] =	sst s0  }
0x9: {  	[smem:$0x3FA2] =	sst s1  }
0xa: {  	[smem:$0x3FA3] =	sst s2  }
0xb: {  	[smem:$0x3FA4] =	sst s3  }
0xc: {  	[smem:$0x3FA5] =	sst s4  }
0xd: {  	[smem:$0x3FA6] =	sst s5  }
0xe: {  	[smem:$0x3FA7] =	sst s6  }
0xf: {  	[smem:$0x3FA8] =	sst s7  }
0x10: {  	[smem:$0x3FA9] =	sst s8  }
0x11: {  	[smem:$0x3FAA] =	sst s9;
	s0 =	simm.s32 @!p0 $0x0  }
0x12: {  	s1 =	sld [smem:$0x3F90];
	s0 =	simm.s32 @p0 $0x1  }
0x13: {  	[smem:$0x3FAB] =	sst s0;
	s0 =	simm.s32 @!p1 $0x0  }
0x14: {  	s2 =	sld [smem:$0x3F8F];
	s0 =	simm.s32 @p1 $0x1  }
0x15: {  	[smem:$0x3FAC] =	sst s0;
	s0 =	simm.s32 @!p2 $0x0  }
0x16: {  	s3 =	sld [smem:$0x3FDB];
	s0 =	simm.s32 @p2 $0x1  }
0x17: {  	s4 =	simm.s32 $0x1BF5;
	[smem:$0x3FAE] =	sst s0  }
0x18: {  	s0 =	sld [smem:$0x3F91];
	_ =	swait.ge [sflag:s4], $0x0  }
0x19: {  	s7 =	sld [smem:$0x3F92]  }
0x1a: {  	s8 =	sadd.s32 $0xFFFFE003, lr  }
0x1b: {  	s9 =	sadd.s32 $0xFFFFFEF7, lr;
	s5 =	simm.s32 $0xFFFFFFFF;
	p2 =	slt.u32 s8, $0xFFFFF086  }
0x1c: {  	p1 =	slt.u32 s9, $0xF7A;
	s5 =	simm.s32 @!p2 $0x0  }
0x1d: {  	s5 =	simm.s32 @p1 $0x1;
	p0 =	seq.s32 s7, s2  }
0x1e: {  	s7 =	smul.u32 @!p0 $0xF7A, s2;
	p2 =	seq.s32 @!p0 s5, $0x0  }
0x1f: {  	s9 =	smul.u32 $0xF7A, s1;
	s8 =	simm.s32 @!p0 $0x1BF5;
	p2 =	por !p2, p0  }
0x20: {  	[sflag:s8] =	ssyncset.s32 @!p0 $0xFFFFF086;
	s6 =	sadd.s32 @!p0 s3, s7;
	s7 =	simm.s32 @!p0 $0x108  }
0x21: {  	s3 =	sadd.s32 s3, s9;
	s6 =	sadd.s32 @!p0 $0x88, s6;
	s7 =	simm.s32 @p2 $0x1082  }
0x22: {  	[simem:s7], [sflag:s8] =	dma.local @!p0 [hbm:s6], $0xF7A  }
0x23: {  	s9 =	sor.u32 $0xD0000000, s2;
	s6 =	simm.s32 $0x108;
	_ =	swait.ge @!p0 [sflag:s8], $0x0  }
0x24: {  	s3 =	sadd.s32 $0x88, s3;
	s6 =	simm.s32 @!p1 $0x1082;
	[sflag:s4] =	ssyncset.s32 $0xFFFFF086  }
0x25: {  	[simem:s6], [sflag:s4] =	dma.local [hbm:s3], $0xF7A  }
0x26: {  	[smem:$0x3F92] =	sst s1;
	(tag) =	ssettag s2;
	_ =	strace s9  }
0x27: {  	s1 =	sld [smem:$0x3FA2]  }
0x28: {  	s2 =	sld [smem:$0x3FA3]  }
0x29: {  	s4 =	sld [smem:$0x3FA5]  }
0x2a: {  	p0 =	seq.s32 s5, $0x0;
	s5 =	sld [smem:$0x3FA6]  }
0x2b: {  	s6 =	sld [smem:$0x3FA7]  }
0x2c: {  	s7 =	sld [smem:$0x3FA8]  }
0x2d: {  	s3 =	simm.s32 $0x108;
	s8 =	sld [smem:$0x3FA9]  }
0x2e: {  	s3 =	simm.s32 @!p0 $0x1082;
	s9 =	sld [smem:$0x3FAA]  }
0x2f: {  	lr =	sadd.s32 s0, s3;
	s0 =	sld [smem:$0x3FA1]  }
0x30: {  	s3 =	sld [smem:$0x3FA4]  }
0x31: {  	[smem:$0x3FAD] =	sst s10  }
0x32: {  	s10 =	sld [smem:$0x3FAB];
	_ =	sdelay $0x3  }
0x33: {  	p0 =	seq.s32 s10, $0x1;
	s10 =	sld [smem:$0x3FAD];
	_ =	sdelay $0x3  }
0x34: {  	[smem:$0x3FAD] =	sst s10  }
0x35: {  	s10 =	sld [smem:$0x3FAC];
	_ =	sdelay $0x3  }
0x36: {  	p1 =	seq.s32 s10, $0x1;
	s10 =	sld [smem:$0x3FAD];
	_ =	sdelay $0x3  }
0x37: {  	[smem:$0x3FAD] =	sst s10  }
0x38: {  	s10 =	sld [smem:$0x3FAE]  }
0x39: {  	_ = 	snop;
	(pc) =	sbr.ind lr, $3  }
0x3a: {  	_ = 	snop  }
0x3b: {  	_ = 	snop  }
0x3c: {  	p2 =	seq.s32 s10, $0x1;
	s10 =	sld [smem:$0x3FAD]  }
0x3d: {  	_ =	shalt  }
0x3e: {  	_ =	shalt  }
0x3f: {  	_ =	shalt  }
0x40: {  	_ =	shalt  }
0x41: {  	_ =	shalt  }
0x42: {  	_ =	shalt  }
0x43: {  	_ =	shalt  }
0x44: {  	_ =	shalt  }
0x45: {  	_ =	shalt  }
0x46: {  	_ =	shalt  }
0x47: {  	_ =	shalt  }
0x48: {  	_ =	shalt  }
0x49: {  	_ =	shalt  }
0x4a: {  	_ =	shalt  }
0x4b: {  	_ =	shalt  }
0x4c: {  	_ =	shalt  }
0x4d: {  	_ =	shalt  }
0x4e: {  	_ =	shalt  }
0x4f: {  	_ =	shalt  }
0x50: {  	_ =	shalt  }
0x51: {  	_ =	shalt  }
0x52: {  	_ =	shalt  }
0x53: {  	_ =	shalt  }
0x54: {  	_ =	shalt  }
0x55: {  	_ =	shalt  }
0x56: {  	_ =	shalt  }
0x57: {  	_ =	shalt  }
0x58: {  	_ =	shalt  }
0x59: {  	_ =	shalt  }
0x5a: {  	_ =	shalt  }
0x5b: {  	_ =	shalt  }
0x5c: {  	_ =	shalt  }
0x5d: {  	_ =	shalt  }
0x5e: {  	_ =	shalt  }
0x5f: {  	_ =	shalt  }
0x60: {  	_ =	shalt  }
0x61: {  	_ =	shalt  }
0x62: {  	_ =	shalt  }
0x63: {  	_ =	shalt  }
0x64: {  	_ =	shalt  }
0x65: {  	_ =	shalt  }
0x66: {  	_ =	shalt  }
0x67: {  	_ =	shalt  }
0x68: {  	_ =	shalt  }
0x69: {  	_ =	shalt  }
0x6a: {  	_ =	shalt  }
0x6b: {  	_ =	shalt  }
0x6c: {  	_ =	shalt  }
0x6d: {  	_ =	shalt  }
0x6e: {  	_ =	shalt  }
0x6f: {  	_ =	shalt  }
0x70: {  	_ =	shalt  }
0x71: {  	_ =	shalt  }
0x72: {  	_ =	shalt  }
0x73: {  	_ =	shalt  }
0x74: {  	_ =	shalt  }
0x75: {  	_ =	shalt  }
0x76: {  	_ =	shalt  }
0x77: {  	_ =	shalt  }
0x78: {  	_ =	shalt  }
0x79: {  	_ =	shalt  }
0x7a: {  	_ =	shalt  }
0x7b: {  	_ =	shalt  }
0x7c: {  	_ =	shalt  }
0x7d: {  	_ =	shalt  }
0x7e: {  	_ =	shalt  }
0x7f: {  	_ =	shalt  }
0x80: {  	_ =	shalt  }
0x81: {  	_ =	shalt  }
0x82: {  	_ =	shalt  }
0x83: {  	_ =	shalt  }
0x84: {  	_ =	shalt  }
0x85: {  	_ =	shalt  }
0x86: {  	_ =	shalt  }
0x87: {  	_ =	shalt  }
.Lfunc_end0:
.L_simem_size_0:
called_computation_lowered:
.L_overlay_start_0:
0x88: {  	s2 =	sld [smem:$0x3FD9]  }
0x89: {  	s3 =	sld [smem:$0x3FFE];
	_ =	sdelay $0x1  }
0x8a: {  	s1 =	srdreg.scid  }
0x8b: {  	s0 =	sand.u32 $0x1, s1  }
0x8c: {  	s17 =	sshll.u32 s0, $0xA;
	s2 =	sadd.s32 s3, s2  }
0x8d: {  	s2 =	sadd.s32 s2, s17  }
0x8e: {  	[smem:$0x3FB9] =	sst s2  }
0x8f: {  	_ = 	snop  }
0x90: {  	s2 =	sld [smem:$0x3FD0];
	(tm) =	ssettm $0x1  }
0x91: {  	s18 =	sld [smem:$0x3FFB];
	_ =	sdelay $0x3  }
0x92: {  	_ =	strace s18  }
0x93: {  	s3 =	sld [smem:$0x3FFC];
	_ =	sdelay $0x3  }
0x94: {  	_ =	strace s3  }
0x95: {  	s3 =	sld [smem:$0x3FFD];
	_ =	sdelay $0x3  }
0x96: {  	_ =	strace s3  }
0x97: {  	_ =	strace $0x8FFFFFFF  }
0x98: {  	s19 =	sld [smem:$0x3FDB];
	_ =	sdelay $0x1  }
0x99: {  	s4 =	simm.s32 $_scs_section_size  }
0x9a: {  	s5 =	simm.s32 $_size__tile_overlayer_lowered;
	s6 =	simm.s32 $_tile_overlayer_lowered  }
0x9b: {  	s22 =	simm.s32 $0x1BFF;
	s21 =	sshll.u32 s6, $0x1;
	s3 =	sadd.s32 s4, s19  }
0x9c: {  	s7 =	simm.s32 $0x0;
	s20 =	sshll.u32 s5, $0x1;
	s5 =	sadd.s32 s21, s3  }
0x9d: {  	[timem:s7], [sflag:s22] =	dma.local [hbm:s5], s20  }
0x9e: {  	_ =	swait.ge [sflag:s22], s20  }
0x9f: {  	s4 =	ssub.s32 $0x0, s20;
	[sflag:s22] =	ssyncset.done $0x0  }
0xa0: {  	[sflag:s22] =	ssyncadd.s32 s4;
	_ =	sdelay $0x1  }
0xa1: {  	s23 =	simm.s32 $0x1B8B  }
0xa2: {  	_ =	swait.ge [sflag:s23], $0x1  }
0xa3: {  	[sflag:s23] =	ssyncset.done $0x0  }
0xa4: {  	s25 =	simm.s32 $0x1B8E;
	s24 =	sld [smem:$0x3FFE];
	[sflag:s23] =	ssyncadd.s32 $0xFFFFFFFF  }
0xa5: {  	s26 =	simm.s32 $execute0_lowered;
	[smem:$0x3FD2] =	sst s25  }
0xa6: {  	s5 =	sshll.u32 s26, $0x1;
	_ =	strace $0x80000046;
	[dreg:$0x1] =	wrdreg $0xFFFFFFFF  }
0xa7: {  	s28 =	simm.s32 $_size_execute0_lowered;
	s3 =	sadd.s32 s3, s5;
	[dreg:$0x0] =	wrdreg $0x0  }
0xa8: {  	s5 =	sshll.u32 s28, $0x1;
	[dreg:$0x2] =	wrdreg s3  }
0xa9: {  	[dreg:$0x3] =	wrdreg s5  }
0xaa: {  	[dreg:$0x4] =	wrdreg $0xC0  }
0xab: {  	_ =	task [dreg:s7], $0x5FFFF  }
0xac: {  	[dreg:$0x1] =	wrdreg $0xFFFFFFFF  }
0xad: {  	[dreg:$0x0] =	wrdreg $0x60  }
0xae: {  	[dreg:$0x2] =	wrdreg s24  }
0xaf: {  	[dreg:$0x3] =	wrdreg s2  }
0xb0: {  	[dreg:$0x4] =	wrdreg $0x7E800  }
0xb1: {  	[dreg:$0x5] =	wrdreg $0x97000  }
0xb2: {  	[dreg:$0x6] =	wrdreg $0xAF800  }
0xb3: {  	[dreg:$0x7] =	wrdreg $0x9  }
0xb4: {  	_ =	task.clear_ibuf [dreg:s7], $0x8FFFF;
	_ =	strace $0x90000046  }
0xb5: {  	s29 =	simm.s32 $0x9;
	_ =	strace $0x80000048  }
0xb6: {  	_ =	swait.ge [sflag:s29], $0x1  }
0xb7: {  	[sflag:s29] =	ssyncadd.s32 $0xFFFFFFFF  }
0xb8: {  	_ =	strace $0x90000048  }
0xb9: {  	_ =	sfence  }
0xba: {  	s30 =	sld [smem:$0x0];
	_ =	sdelay $0x2  }
0xbb: {  	s31 =	sshll.u32 s1, $0xD;
	s1 =	sshrl.u32 s1, $0x2  }
0xbc: {  	s3 =	sand.u32 $0x4000, s31;
	s1 =	sadd.s32 s1, s30  }
0xbd: {  	s0 =	sor.u32 s3, s0;
	s1 =	sshll.u32 s1, $0x11  }
0xbe: {  	s0 =	sor.u32 s1, s0  }
0xbf: {  	s0 =	sadd.s32 $0x8F2B, s0  }
0xc0: {  	[sflag:s0] =	ssyncadd.remote.s32 $0x1  }
0xc1: {  	_ =	sfence.sel $0xFFFF  }
0xc2: {  	[dreg:$0x0] =	wrdreg $0xFFFFFFFF;
	(pc) =	sbr.abs _section_cstart, $3  }
0xc3: {  	[dreg:$0x1] =	wrdreg $0xFFFFFFFF  }
0xc4: {  	_ =	task.clear_ibuf [dreg:s7], $0x2FFFF;
	_ =	strace $0x9FFFFFFF  }
0xc5: {  	(tm) =	ssettm $0x7FFFFFFF  }
tec
execute0_lowered:
.L_overlay_start_1:
0x0: {  	(tag) =	ssettag $0x1  }
0x1: {  	s0 =	rddreg [dreg:$0x0]  }
0x2: {  	s1 =	rddreg [dreg:$0x1]  }
0x3: {  	s3 =	rddreg [dreg:$0x2]  }
0x4: {  	s4 =	rddreg [dreg:$0x3]  }
0x5: {  	s5 =	rddreg [dreg:$0x4];
	s2 =	stileid.u32  }
0x6: {  	s6 =	simm.s32 $0x0;
	s7 =	srdreg.scid;
	s16 =	simm.s32 $0x2  }
0x7: {  	s20 =	simm.s32 $0x7E00;
	s21 =	simm.s32 $0x1F80;
	s22 =	simm.s32 $0x1F40  }
0x8: {  	s23 =	simm.s32 $0x3F00;
	s24 =	simm.s32 $0x1;
	s25 =	simm.s32 $0x5E80  }
0x9: {  	s28 =	simm.s32 $0x10;
	s11 =	smul.u32 $0x1880, s2;
	[smem:$0x7FF] =	sst s6  }
0xa: {  	s9 =	sand.u32 $0x1, s7;
	s8 =	smul.u32 $0x3100, s2;
	s7 =	sadd.s32 $0xC5600, s0  }
0xb: {  	s14 =	sshll.u32 s2, $0x1;
	s31 =	sshll.u32 s2, $0x6;
	_ =	strace $0x80000047  }
0xc: {  	s10 =	sshll.u32 s9, $0x7;
	s13 =	ssub.s32 $0x2, s9;
	s30 =	sor.u32 s9, s14  }
0xd: {  	s17 =	sor.u32 $0x1C02, s31;
	s26 =	sshrl.u32 s11, $0x3;
	s10 =	sor.u32 s10, s8  }
0xe: {  	s8 =	sadd.s32 $0x2000, s0;
	s29 =	sshrl.u32 s13, $0x1;
	s9 =	sadd.s32 s11, s3  }
0xf: {  	s18 =	sadd.s32 s11, s4;
	s19 =	sadd.s32 s11, s5;
	s12 =	sadd.s32 s26, s0  }
0x10: {  	s10 =	sshrl.u32 s10, $0x3;
	s15 =	ssub.s32 s13, s29;
	s18 =	sshrl.u32 s18, $0x3  }
0x11: {  	s19 =	sshrl.u32 s19, $0x3;
	s0 =	sadd.s32 s10, s0;
	s10 =	sadd.s32 $0x188C00, s12  }
0x12: {  	s26 =	simm.s32 $0x20;
	s11 =	sadd.s32 $0x18BE00, s12;
	s12 =	smul.u32 $0x30D40, s30  }
0x13: {  	v0 =	vimm.f32 $0.0e+00;
	s14 =	smax.u32 s15, $0x1;
	s15 =	simm.s32 $0xC800;
	s13 =	sadd.s32 $0x18F000, s0  }
.LBB2_1:
0x14: {  	s0 =	simm.s32 $0x40;
	s29 =	simm.s32 $0x0  }
.LBB2_2:
0x15: {  	p0 =	sne.s32 s0, $0x61C0;
	[tilespmem:s29+$0xC800] =	vst v0;
	s29 =	smov.u32 s0;
	s0 =	sadd.s32 $0x40, s0  }
.Ltmp0:
0x16: {  	(pc) =	sbr.rel @p0 .LBB2_2-.Ltmp0, $2  }
0x17: {  	_ =	sdelay $0x2  }
0x18: {  	s29 =	sshra.s32 s29, $0x2  }
0x19: {  	[tilespmem:s29+$0xC800] =	vst v0  }
0x1a: {  	[spmem:s9] =	stream.linear.scatter [tilespmem:s15], [sflag:$0x2], $0x1880, $0x38;
	[tilespmem:$0xE080] =	vst v63  }
0x1b: {  	_ =	swait.ge [sflag:s16], $0x1880  }
0x1c: {  	[sflag:s16] =	ssyncset.done $0x0  }
0x1d: {  	[sflag:s16] =	ssyncadd.s32 $0xFFFFE780  }
0x1e: {  	[spmem:s18], [sflag:s17] =	dma.local [hbm:s10], $0x310  }
0x1f: {  	_ =	swait.ge [sflag:s16], $0x310  }
0x20: {  	[sflag:s16] =	ssyncset.done $0x0  }
0x21: {  	[sflag:s16] =	ssyncadd.s32 $0xFFFFFCF0  }
0x22: {  	[spmem:s19], [sflag:s17] =	dma.local [hbm:s11], $0x310  }
0x23: {  	_ =	swait.ge [sflag:s16], $0x310  }
0x24: {  	[sflag:s16] =	ssyncset.done $0x0  }
0x25: {  	s29 =	simm.s32 $0x0;
	[sflag:s16] =	ssyncadd.s32 $0xFFFFFCF0  }
0x26: {  	[tilespmem:s20], [sflag:$0x2] =	stream.linear.gather [hbm4b:s1+s29], $0x80, $0x38;
	[tilespmem:$0xE080] =	vst v63  }
0x27: {  	_ =	swait.ge [sflag:s16], $0x80  }
0x28: {  	[sflag:s16] =	ssyncset.done $0x0  }
0x29: {  	[sflag:s16] =	ssyncadd.s32 $0xFFFFFF80  }
0x2a: {  	[bflag:$0x0] =	sbarrier.arrive $0xFFFF  }
0x2b: {  	v3 =	vld [tilespmem:$0x7E00];
	_ =	sdelay $0x4  }
0x2c: {  	(v2sf) =	vpush v3, $0x0  }
0x2d: {  	(v2sf) =	vpush v3, $0x1  }
0x2e: {  	(v2sf) =	vpush v3, $0x2  }
0x2f: {  	(v2sf) =	vpush v3, $0x3;
	_ =	sdelay $0xb  }
0x30: {  	s0 =	spop (v2sf)  }
0x31: {  	s30 =	spop (v2sf);
	s0 =	smax.f32 s0, $0.0e+00  }
0x32: {  	s31 =	spop (v2sf);
	s30 =	smax.f32 s30, $0.0e+00  }
0x33: {  	s0 =	smul.f32 s0, s31;
	s2 =	spop (v2sf)  }
0x34: {  	s30 =	smul.f32 s30, s2;
	_ =	sdelay $0x1  }
0x35: {  	s0 =	sadd.f32 s30, s0;
	_ =	sdelay $0x1  }
0x36: {  	v1 =	vbroadcast v3, $0x4;
	v3 =	vbroadcast v3, $0x5;
	s30 =	simm.s32 $0x0;
	v2 =	vmov s0  }
.LBB2_4:
0x37: {  	s0 =	smul.u32 $0x1F40, s30;
	_ =	sdelay $0x1  }
0x38: {  	s0 =	sadd.s32 s12, s0  }
0x39: {  	s0 =	sshrl.u32 s0, $0x3  }
0x3a: {  	s31 =	sadd.s32 s7, s0  }
0x3b: {  	[tilespmem:s29], [sflag:$0x2] =	stream.linear.gather [hbm4b:s31+s29], $0x1F40, $0x38;
	[tilespmem:$0xE080] =	vst v63  }
0x3c: {  	_ =	swait.ge [sflag:s16], $0x1F40  }
0x3d: {  	[sflag:s16] =	ssyncset.done $0x0  }
0x3e: {  	s0 =	sadd.s32 s8, s0;
	[sflag:s16] =	ssyncadd.s32 $0xFFFFE0C0  }
0x3f: {  	[tilespmem:s21], [sflag:$0x2] =	stream.linear.gather [hbm4b:s0+s29], $0x1F40, $0x38;
	[tilespmem:$0xE080] =	vst v63  }
0x40: {  	_ =	swait.ge [sflag:s16], $0x1F40  }
0x41: {  	[sflag:s16] =	ssyncset.done $0x0  }
0x42: {  	[sflag:s16] =	ssyncadd.s32 $0xFFFFE0C0  }
0x43: {  	[tilespmem:s23], [sflag:$0x1] =	stream.indirect.gather [spmem:s4], $0x1, s21, s22, $0xb8;
	[tilespmem:$0xE080] =	vst v63  }
0x44: {  	_ =	swait.ge [sflag:s24], $0x1F40  }
0x45: {  	[sflag:s24] =	ssyncset.done $0x0  }
0x46: {  	[sflag:s24] =	ssyncadd.s32 $0xFFFFE0C0  }
0x47: {  	[tilespmem:s25], [sflag:$0x1] =	stream.indirect.gather [spmem:s5], $0x1, s29, s22, $0xb8;
	[tilespmem:$0xE080] =	vst v63  }
0x48: {  	_ =	swait.ge [sflag:s24], $0x1F40  }
0x49: {  	[sflag:s24] =	ssyncset.done $0x0  }
0x4a: {  	s31 =	simm.s32 $0x0;
	[sflag:s24] =	ssyncadd.s32 $0xFFFFE0C0  }
0x4b: {  	s0 =	simm.s32 $0x40;
	v4 =	vld [tilespmem:s31+$0x5E80]  }
.LBB2_5:
0x4c: {  	p0 =	sne.s32 s0, $0x7CC0;
	v5 =	vld [tilespmem:s31+$0x3F00];
	_ =	sdelay $0x4  }
0x4d: {  	v4 =	vadd.f32 v4, v5;
	_ =	sdelay $0x1  }
0x4e: {  	v4 =	vadd.f32 v4, v1;
	_ =	sdelay $0x1  }
0x4f: {  	v4 =	vmax.f32 v4, $0.0e+00  }
0x50: {  	v5 =	vmul.f32 v4, v2;
	_ =	sdelay $0x1  }
0x51: {  	v5 =	vadd.f32 v5, v3;
	_ =	sdelay $0x1  }
0x52: {  	v5 =	vsub.f32 $0.0e+00, v5;
	_ =	sdelay $0x1  }
0x53: {  	v5 =	vmul.f32 $1.442695020e+00, v5;
	_ =	sdelay $0x1  }
0x54: {  	(erf) = vpow2.f32 v5;
	_ =	sdelay $0x8  }
0x55: {  	v5 =	vpop (erf)  }
0x56: {  	v5 =	vadd.f32 $1.000000000e+00, v5;
	_ =	sdelay $0x1  }
0x57: {  	(erf) = vrcp.f32 v5;
	_ =	sdelay $0x7  }
.Ltmp1:
0x58: {  	(pc) =	sbr.rel @p0 .LBB2_5-.Ltmp1, $4  }
0x59: {  	v5 =	vpop (erf)  }
0x5a: {  	v5 =	vmul.f32 v5, v4  }
0x5b: {  	s2 =	sshra.s32 s0, $0x2  }
0x5c: {  	s0 =	sadd.s32 $0x40, s0;
	v4 =	vld [tilespmem:s2+$0x5E80];
	[tilespmem:s31+$0x3F00] =	vst v5;
	s31 =	smov.u32 s2  }
0x5d: {  	v5 =	vld [tilespmem:s31+$0x3F00];
	_ =	sdelay $0x4  }
0x5e: {  	v4 =	vadd.f32 v4, v5;
	_ =	sdelay $0x1  }
0x5f: {  	v4 =	vadd.f32 v4, v1;
	_ =	sdelay $0x1  }
0x60: {  	v4 =	vmax.f32 v4, $0.0e+00  }
0x61: {  	v5 =	vmul.f32 v4, v2;
	_ =	sdelay $0x1  }
0x62: {  	v5 =	vadd.f32 v5, v3;
	_ =	sdelay $0x1  }
0x63: {  	v5 =	vsub.f32 $0.0e+00, v5;
	_ =	sdelay $0x1  }
0x64: {  	v5 =	vmul.f32 $1.442695020e+00, v5;
	_ =	sdelay $0x1  }
0x65: {  	(erf) = vpow2.f32 v5;
	_ =	sdelay $0x8  }
0x66: {  	v5 =	vpop (erf)  }
0x67: {  	v5 =	vadd.f32 $1.000000000e+00, v5;
	_ =	sdelay $0x1  }
0x68: {  	(erf) = vrcp.f32 v5;
	_ =	sdelay $0x8  }
0x69: {  	v5 =	vpop (erf)  }
0x6a: {  	s30 =	sadd.s32 $0x1, s30;
	v4 =	vmul.f32 v5, v4  }
0x6b: {  	p0 =	sne.s32 s30, $0x19  }
.Ltmp2:
0x6c: {  	[tilespmem:s31+$0x3F00] =	vst v4;
	(pc) =	sbr.rel @p0 .LBB2_4-.Ltmp2, $4  }
0x6d: {  	[spmem:s3] =	stream.indirect.scatter.add.f32 [tilespmem:s23], [sflag:$0x2], $0x1, s21, s22, $0xb8;
	[tilespmem:$0xE080] =	vst v63  }
0x6e: {  	_ =	swait.ge [sflag:s16], $0x1F40  }
0x6f: {  	[sflag:s16] =	ssyncset.done $0x0  }
0x70: {  	[sflag:s16] =	ssyncadd.s32 $0xFFFFE0C0  }
0x71: {  	s6 =	sadd.s32 $0x1, s6  }
0x72: {  	p0 =	sne.s32 s6, s14  }
.Ltmp3:
0x73: {  	[bflag:$0x0] =	sbarrier.arrive $0xFFFF;
	s0 =	sshrl.u32 s9, $0x3;
	(pc) =	sbr.rel @p0 .LBB2_1-.Ltmp3, $4  }
0x74: {  	[hbm:s13@s26], [sflag:s17] =	dma.strided [spmem:s0@s28], $0x310, s24, $0x10   }
0x75: {  	_ =	swait.ge [sflag:s16], $0x310  }
0x76: {  	[sflag:s16] =	ssyncset.done $0x0  }
0x77: {  	[sflag:s16] =	ssyncadd.s32 $0xFFFFFCF0  }
0x78: {  	_ =	sfence.sel $0x180000  }
0x79: {  	[bflag:$0x0] =	sbarrier.arrive $0xFFFF  }
0x7a: {  	_ =	strace $0x90000047  }
0x7b: {  	s0 =	stileid.u32;
	[bflag:$0x2] =	sbarrier.arrive $0xFFFF  }
0x7c: {  	p0 =	sne.s32 s0, $0x0;
	s0 =	rddreg [dreg:$0x5]  }
0x7d: {  	s0 =	sadd.s32 @!p0 $0x100000, s0  }
0x7e: {  	[sflag:s0] =	ssyncadd.tile.s32 @!p0 $0x1;
	_ =	shalt  }
.Lfunc_end2:
_tile_overlayer_lowered:
.L_overlay_start_2:
0x7f: {  	(tag) =	ssettag $0x2  }
0x80: {  	s0 =	rddreg [dreg:$0x0];
	s2 =	stileid.u32  }
0x81: {  	s1 =	rddreg [dreg:$0x1];
	p0 =	sne.s32 s2, $0x0  }
0x82: {  	s3 =	rddreg [dreg:$0x2];
	[bflag:$0x3] =	sbarrier.arrive $0xFFFF;
	s2 =	simm.s32 @!p0 $0x1C02  }
0x83: {  	[timem:s3], [sflag:s2] =	dma.local @!p0 [hbm:s0], s1  }
0x84: {  	s0 =	simm.s32 @!p0 $0x2  }
0x85: {  	_ =	swait.ge @!p0 [sflag:s0], s1  }
0x86: {  	s1 =	ssub.s32 @!p0 $0x0, s1;
	[sflag:s0] =	ssyncset.done @!p0 $0x0  }
0x87: {  	[sflag:s0] =	ssyncadd.s32 @!p0 s1  }
0x88: {  	[bflag:$0x3] =	sbarrier.arrive $0xFFFF  }
0x89: {  	_ =	shalt  }

</sc_bundles>
